<compile_context>
chip_gen: v7x
topology: tpu7x:2x2x1
jax: 0.10.2.dev20260603
libtpu: 0.0.44.dev20260713+nightly
codegen_flags: <defaults>
</compile_context>

<pallas_src>
import jax
import jax.numpy as jnp
from jax import lax
from jax.experimental import pallas as pl
from jax.experimental.pallas import tpu as pltpu
from jax.experimental.pallas import tpu_sc as plsc

N_FIELDS = 26
VOCAB = 100000
EMB_DIM = 32
BATCH = 16384

NC = 2
NS = 16
NW = NC * NS
N_PAIRS = N_FIELDS * EMB_DIM
PER_W = N_PAIRS // NW
OUT_CHUNK = 4096
N_OCH = BATCH // OUT_CHUNK


def _body(tab_hbm, idx_hbm, out_hbm, vocab_v, idx_v, ob0, ob1, vsem, os0, os1):
    wid = lax.axis_index("s") * NC + lax.axis_index("c")

    def do_pair(p, carry):
        j = wid * PER_W + p
        i = j // EMB_DIM
        d = j % EMB_DIM
        vcp = pltpu.async_copy(tab_hbm.at[i, d], vocab_v, vsem)
        @pl.when(jnp.logical_or(p == 0, d == 0))
        def _():
            pltpu.sync_copy(idx_hbm.at[i], idx_v)
        vcp.wait()

        def do_chunk(c, carry2):
            b0 = c * OUT_CHUNK
            gc = p * N_OCH + c

            def run(buf, sem):
                @pl.when(gc >= 2)
                def _():
                    pltpu.make_async_copy(
                        out_hbm.at[j, pl.ds(b0, OUT_CHUNK)], buf, sem).wait()

                @plsc.parallel_loop(0, OUT_CHUNK, step=16, unroll=8)
                def _gather(off):
                    iv = idx_v[pl.ds(b0 + off, 16)]
                    buf[pl.ds(off, 16)] = plsc.load_gather(vocab_v, [iv])

                pltpu.async_copy(buf, out_hbm.at[j, pl.ds(b0, OUT_CHUNK)], sem)

            @pl.when(c % 2 == 0)
            def _():
                run(ob0, os0)

            @pl.when(c % 2 == 1)
            def _():
                run(ob1, os1)

            return carry2

        lax.fori_loop(0, N_OCH, do_chunk, 0)
        return carry

    lax.fori_loop(0, PER_W, do_pair, 0)
    last_j = wid * PER_W + PER_W - 1
    pltpu.make_async_copy(
        out_hbm.at[last_j, pl.ds(0, OUT_CHUNK)], ob0, os0).wait()
    pltpu.make_async_copy(
        out_hbm.at[last_j, pl.ds(0, OUT_CHUNK)], ob1, os1).wait()


_sc_col_gather = pl.kernel(
    _body,
    out_type=jax.ShapeDtypeStruct((N_PAIRS, BATCH), jnp.float32),
    mesh=plsc.VectorSubcoreMesh(
        core_axis_name="c", subcore_axis_name="s",
        num_cores=NC, num_subcores=NS),
    scratch_types=[
        pltpu.VMEM((VOCAB,), jnp.float32),
        pltpu.VMEM((BATCH,), jnp.int32),
        pltpu.VMEM((OUT_CHUNK,), jnp.float32),
        pltpu.VMEM((OUT_CHUNK,), jnp.float32),
        pltpu.SemaphoreType.DMA,
        pltpu.SemaphoreType.DMA,
        pltpu.SemaphoreType.DMA,
    ],
    compiler_params=pltpu.CompilerParams(
        use_tc_tiling_on_sc=True, needs_layout_passes=False),
)


@jax.jit
def kernel(categorical_data, tables):
    cat_t = categorical_data.astype(jnp.int32).T
    tab_t = lax.transpose(tables, (0, 2, 1))
    out_t = _sc_col_gather(tab_t, cat_t)
    return out_t.T

# --- scband reference (transcript-rebuilt; emitter-appended) ---
"""Pipeline reference for scband-embedding-module-64656437674373 (READ-ONLY COPY).

The authoritative reference and input builder live on the scoring server;
editing this copy changes nothing except your own understanding.
"""

import jax, jax.numpy as jnp
import numpy as np

N_FIELDS = 26
VOCAB = 100000
EMB_DIM = 32
BATCH = 16384

def setup_inputs(seed: int = 0) -> dict:
    key = jax.random.key(seed)
    k_idx, k_tab = jax.random.split(key)
    categorical_data = jax.random.randint(k_idx, (BATCH, N_FIELDS), 0, VOCAB, dtype=jnp.int64 if jax.config.jax_enable_x64 else jnp.int32)
    tables = jax.random.normal(k_tab, (N_FIELDS, VOCAB, EMB_DIM), dtype=jnp.float32) * 0.01
    return {"categorical_data": categorical_data, "tables": tables}

def reference(categorical_data, tables):
    # Faithful translation: for each field i, lookup emb_i(categorical_data[:, i]),
    # then concatenate along feature axis. Dropout p=0.0 -> identity.
    outs = [jnp.take(tables[i], categorical_data[:, i], axis=0) for i in range(N_FIELDS)]
    x = jnp.concatenate(outs, axis=1)
    return x

if __name__ == "__main__":
    import jax
    _d = setup_inputs()
    print(jax.jit(kernel)(*tuple(_d.values())))

</pallas_src>

<mosaic_0001>
#map = affine_map<(d0, d1) -> (0, 0, 0)>
#map1 = affine_map<(d0, d1) -> (0, 0)>
module attributes {stable_mosaic.version = 14 : i64} {
  func.func @_body(%arg0: i32, %arg1: i32, %arg2: memref<26x32x100000xf32, #tpu.memory_space<hbm>>, %arg3: memref<26x16384xi32, #tpu.memory_space<hbm>>, %arg4: memref<832x16384xf32, #tpu.memory_space<hbm>>, %arg5: memref<100000xf32, #tpu.memory_space<vmem>>, %arg6: memref<16384xi32, #tpu.memory_space<vmem>>, %arg7: memref<4096xf32, #tpu.memory_space<vmem>>, %arg8: memref<4096xf32, #tpu.memory_space<vmem>>, %arg9: memref<!tpu.dma_semaphore, #tpu.memory_space<semaphore_mem>>, %arg10: memref<!tpu.dma_semaphore, #tpu.memory_space<semaphore_mem>>, %arg11: memref<!tpu.dma_semaphore, #tpu.memory_space<semaphore_mem>>) attributes {dimension_semantics = [#tpu.dimension_semantics<core_parallel>, #tpu.dimension_semantics<subcore_parallel>], iteration_bounds = array<i64: 2, 16>, scalar_prefetch = 0 : i64, scratch_operands = 7 : i64, tpu.core_type = #tpu.core_type<sc_vector_subcore>, window_params = [{transform_indices = #map}, {transform_indices = #map1}, {transform_indices = #map1}]} {
    %mul3A = arith.constant 2 : i32
    %mul3A_0 = arith.muli %arg1, %mul3A : i32
    %add3A = arith.addi %mul3A_0, %arg0 : i32
    %scan3A = arith.constant 0 : i32
    %scan3A_1 = arith.constant 0 : i32
    %scan3A_2 = arith.constant 26 : i32
    %scan3A_3 = arith.addi %scan3A_1, %scan3A_2 : i32
    %scan3A_4 = arith.constant 1 : i32
    scf.for %scan3A_22 = %scan3A_1 to %scan3A_3 step %scan3A_4  : i32 {
      %mul3A_23 = arith.constant 26 : i32
      %mul3A_24 = arith.muli %add3A, %mul3A_23 : i32
      %add3A_25 = arith.addi %mul3A_24, %scan3A_22 : i32
      %jit3A = arith.constant 32 : i32
      %div3A = arith.divsi %add3A_25, %jit3A : i32
      %sign3A = arith.constant 0 : i32
      %sign3A_26 = arith.cmpi sgt, %add3A_25, %sign3A : i32
      %sign3A_27 = arith.extui %sign3A_26 : i1 to i32
      %sign3A_28 = arith.constant 0 : i32
      %sign3A_29 = arith.cmpi slt, %add3A_25, %sign3A_28 : i32
      %sign3A_30 = arith.extui %sign3A_29 : i1 to i32
      %sign3A_31 = arith.subi %sign3A_27, %sign3A_30 : i32
      %sign3A_32 = arith.constant 0 : i32
      %sign3A_33 = arith.cmpi sgt, %jit3A, %sign3A_32 : i32
      %sign3A_34 = arith.extui %sign3A_33 : i1 to i32
      %sign3A_35 = arith.constant 0 : i32
      %sign3A_36 = arith.cmpi slt, %jit3A, %sign3A_35 : i32
      %sign3A_37 = arith.extui %sign3A_36 : i1 to i32
      %sign3A_38 = arith.subi %sign3A_34, %sign3A_37 : i32
      %ne3A = arith.cmpi ne, %sign3A_31, %sign3A_38 : i32
      %rem3A = arith.remsi %add3A_25, %jit3A : i32
      %ne3A_39 = arith.constant 0 : i32
      %ne3A_40 = arith.cmpi ne, %rem3A, %ne3A_39 : i32
      %and3A = arith.andi %ne3A, %ne3A_40 : i1
      %sub3A_41 = arith.constant 1 : i32
      %sub3A_42 = arith.subi %div3A, %sub3A_41 : i32
      %select_n3A = arith.select %and3A, %sub3A_42, %div3A : i32
      %jit3A_43 = arith.constant 32 : i32
      %eq3A = arith.constant 0 : i32
      %eq3A_44 = arith.cmpi eq, %jit3A_43, %eq3A : i32
      %jit3A_45 = arith.constant 1 : i32
      %select_n3A_46 = arith.select %eq3A_44, %jit3A_45, %jit3A_43 : i32
      %rem3A_47 = arith.remsi %add3A_25, %select_n3A_46 : i32
      %ne3A_48 = arith.constant 0 : i32
      %ne3A_49 = arith.cmpi ne, %rem3A_47, %ne3A_48 : i32
      %lt3A = arith.constant 0 : i32
      %lt3A_50 = arith.cmpi slt, %rem3A_47, %lt3A : i32
      %lt3A_51 = arith.constant 0 : i32
      %lt3A_52 = arith.cmpi slt, %select_n3A_46, %lt3A_51 : i32
      %ne3A_53 = arith.xori %lt3A_50, %lt3A_52 : i1
      %and3A_54 = arith.andi %ne3A_53, %ne3A_49 : i1
      %add3A_55 = arith.addi %rem3A_47, %select_n3A_46 : i32
      %select_n3A_56 = arith.select %and3A_54, %add3A_55, %rem3A_47 : i32
      %dma_start3A = arith.constant 0 : i32
      %dma_start3A_57 = tpu.memref_slice %arg2[%select_n3A, %select_n3A_56, %dma_start3A] : memref<26x32x100000xf32, #tpu.memory_space<hbm>> -> memref<1x1x100000xf32, #tpu.memory_space<hbm>>
      %dma_start3A_58 = tpu.memref_squeeze %dma_start3A_57 : memref<1x1x100000xf32, #tpu.memory_space<hbm>> -> memref<100000xf32, #tpu.memory_space<hbm>>
      %dma_start3A_59 = arith.constant 0 : i32
      %dma_start3A_60 = tpu.memref_slice %arg2[%select_n3A, %select_n3A_56, %dma_start3A_59] : memref<26x32x100000xf32, #tpu.memory_space<hbm>> -> memref<1x1x100000xf32, #tpu.memory_space<hbm>>
      %dma_start3A_61 = tpu.memref_squeeze %dma_start3A_60 : memref<1x1x100000xf32, #tpu.memory_space<hbm>> -> memref<100000xf32, #tpu.memory_space<hbm>>
      tpu.enqueue_dma source(%dma_start3A_61 : memref<100000xf32, #tpu.memory_space<hbm>>) target(%arg5 : memref<100000xf32, #tpu.memory_space<vmem>>) target_semaphore(%arg9 : memref<!tpu.dma_semaphore, #tpu.memory_space<semaphore_mem>>)
      %eq3A_62 = arith.constant 0 : i32
      %eq3A_63 = arith.cmpi eq, %scan3A_22, %eq3A_62 : i32
      %eq3A_64 = arith.constant 0 : i32
      %eq3A_65 = arith.cmpi eq, %select_n3A_56, %eq3A_64 : i32
      %or3A = arith.ori %eq3A_63, %eq3A_65 : i1
      %convert_element_type3A = arith.extui %or3A : i1 to i32
      %cond3A = arith.constant 0 : i32
      %cond3A_66 = arith.cmpi ne, %convert_element_type3A, %cond3A : i32
      scf.if %cond3A_66 {
        "tpu.region"() ({
          %run_scoped3A = tpu.sem_alloc : memref<!tpu.dma_semaphore, #tpu.memory_space<semaphore_mem>>
          %dma_start3A_79 = arith.constant 0 : i32
          %dma_start3A_80 = tpu.memref_slice %arg3[%select_n3A, %dma_start3A_79] : memref<26x16384xi32, #tpu.memory_space<hbm>> -> memref<1x16384xi32, #tpu.memory_space<hbm>>
          %dma_start3A_81 = tpu.memref_squeeze %dma_start3A_80 : memref<1x16384xi32, #tpu.memory_space<hbm>> -> memref<16384xi32, #tpu.memory_space<hbm>>
          %dma_start3A_82 = arith.constant 0 : i32
          %dma_start3A_83 = tpu.memref_slice %arg3[%select_n3A, %dma_start3A_82] : memref<26x16384xi32, #tpu.memory_space<hbm>> -> memref<1x16384xi32, #tpu.memory_space<hbm>>
          %dma_start3A_84 = tpu.memref_squeeze %dma_start3A_83 : memref<1x16384xi32, #tpu.memory_space<hbm>> -> memref<16384xi32, #tpu.memory_space<hbm>>
          tpu.enqueue_dma source(%dma_start3A_84 : memref<16384xi32, #tpu.memory_space<hbm>>) target(%arg6 : memref<16384xi32, #tpu.memory_space<vmem>>) target_semaphore(%run_scoped3A : memref<!tpu.dma_semaphore, #tpu.memory_space<semaphore_mem>>)
          %dma_wait3A_85 = arith.constant 0 : i32
          %dma_wait3A_86 = tpu.memref_slice %arg3[%select_n3A, %dma_wait3A_85] : memref<26x16384xi32, #tpu.memory_space<hbm>> -> memref<1x16384xi32, #tpu.memory_space<hbm>>
          %dma_wait3A_87 = tpu.memref_squeeze %dma_wait3A_86 : memref<1x16384xi32, #tpu.memory_space<hbm>> -> memref<16384xi32, #tpu.memory_space<hbm>>
          %dma_wait3A_88 = arith.constant 0 : i32
          %dma_wait3A_89 = tpu.memref_slice %arg3[%select_n3A, %dma_wait3A_88] : memref<26x16384xi32, #tpu.memory_space<hbm>> -> memref<1x16384xi32, #tpu.memory_space<hbm>>
          %dma_wait3A_90 = tpu.memref_squeeze %dma_wait3A_89 : memref<1x16384xi32, #tpu.memory_space<hbm>> -> memref<16384xi32, #tpu.memory_space<hbm>>
          tpu.wait_dma2 semaphore(%run_scoped3A : memref<!tpu.dma_semaphore, #tpu.memory_space<semaphore_mem>>) src(%dma_wait3A_90 : memref<16384xi32, #tpu.memory_space<hbm>>) dst(%arg6 : memref<16384xi32, #tpu.memory_space<vmem>>)
          tpu.yield
        }) : () -> ()
      } else {
      }
      %dma_wait3A_67 = arith.constant 0 : i32
      %dma_wait3A_68 = tpu.memref_slice %arg2[%select_n3A, %select_n3A_56, %dma_wait3A_67] : memref<26x32x100000xf32, #tpu.memory_space<hbm>> -> memref<1x1x100000xf32, #tpu.memory_space<hbm>>
      %dma_wait3A_69 = tpu.memref_squeeze %dma_wait3A_68 : memref<1x1x100000xf32, #tpu.memory_space<hbm>> -> memref<100000xf32, #tpu.memory_space<hbm>>
      %dma_wait3A_70 = arith.constant 0 : i32
      %dma_wait3A_71 = tpu.memref_slice %arg2[%select_n3A, %select_n3A_56, %dma_wait3A_70] : memref<26x32x100000xf32, #tpu.memory_space<hbm>> -> memref<1x1x100000xf32, #tpu.memory_space<hbm>>
      %dma_wait3A_72 = tpu.memref_squeeze %dma_wait3A_71 : memref<1x1x100000xf32, #tpu.memory_space<hbm>> -> memref<100000xf32, #tpu.memory_space<hbm>>
      tpu.wait_dma2 semaphore(%arg9 : memref<!tpu.dma_semaphore, #tpu.memory_space<semaphore_mem>>) src(%dma_wait3A_72 : memref<100000xf32, #tpu.memory_space<hbm>>) dst(%arg5 : memref<100000xf32, #tpu.memory_space<vmem>>)
      %scan3A_73 = arith.constant 0 : i32
      %scan3A_74 = arith.constant 0 : i32
      %scan3A_75 = arith.constant 4 : i32
      %scan3A_76 = arith.addi %scan3A_74, %scan3A_75 : i32
      %scan3A_77 = arith.constant 1 : i32
      scf.for %scan3A_79 = %scan3A_74 to %scan3A_76 step %scan3A_77  : i32 {
        %mul3A_80 = arith.constant 4096 : i32
        %mul3A_81 = arith.muli %scan3A_79, %mul3A_80 : i32
        %mul3A_82 = arith.constant 4 : i32
        %mul3A_83 = arith.muli %scan3A_22, %mul3A_82 : i32
        %add3A_84 = arith.addi %mul3A_83, %scan3A_79 : i32
        %jit3A_85 = arith.constant 2 : i32
        %eq3A_86 = arith.constant 0 : i32
        %eq3A_87 = arith.cmpi eq, %jit3A_85, %eq3A_86 : i32
        %jit3A_88 = arith.constant 1 : i32
        %select_n3A_89 = arith.select %eq3A_87, %jit3A_88, %jit3A_85 : i32
        %rem3A_90 = arith.remsi %scan3A_79, %select_n3A_89 : i32
        %ne3A_91 = arith.constant 0 : i32
        %ne3A_92 = arith.cmpi ne, %rem3A_90, %ne3A_91 : i32
        %lt3A_93 = arith.constant 0 : i32
        %lt3A_94 = arith.cmpi slt, %rem3A_90, %lt3A_93 : i32
        %lt3A_95 = arith.constant 0 : i32
        %lt3A_96 = arith.cmpi slt, %select_n3A_89, %lt3A_95 : i32
        %ne3A_97 = arith.xori %lt3A_94, %lt3A_96 : i1
        %and3A_98 = arith.andi %ne3A_97, %ne3A_92 : i1
        %add3A_99 = arith.addi %rem3A_90, %select_n3A_89 : i32
        %select_n3A_100 = arith.select %and3A_98, %add3A_99, %rem3A_90 : i32
        %eq3A_101 = arith.constant 0 : i32
        %eq3A_102 = arith.cmpi eq, %select_n3A_100, %eq3A_101 : i32
        %convert_element_type3A_103 = arith.extui %eq3A_102 : i1 to i32
        %cond3A_104 = arith.constant 0 : i32
        %cond3A_105 = arith.cmpi ne, %convert_element_type3A_103, %cond3A_104 : i32
        scf.if %cond3A_105 {
          %ge3A = arith.constant 2 : i32
          %ge3A_127 = arith.cmpi sge, %add3A_84, %ge3A : i32
          %convert_element_type3A_128 = arith.extui %ge3A_127 : i1 to i32
          %cond3A_129 = arith.constant 0 : i32
          %cond3A_130 = arith.cmpi ne, %convert_element_type3A_128, %cond3A_129 : i32
          scf.if %cond3A_130 {
            %dma_wait3A_137 = tpu.memref_slice %arg4[%add3A_25, %mul3A_81] : memref<832x16384xf32, #tpu.memory_space<hbm>> -> memref<1x4096xf32, #tpu.memory_space<hbm>>
            %dma_wait3A_138 = tpu.memref_squeeze %dma_wait3A_137 : memref<1x4096xf32, #tpu.memory_space<hbm>> -> memref<4096xf32, #tpu.memory_space<hbm>>
            %dma_wait3A_139 = tpu.memref_slice %arg4[%add3A_25, %mul3A_81] : memref<832x16384xf32, #tpu.memory_space<hbm>> -> memref<1x4096xf32, #tpu.memory_space<hbm>>
            %dma_wait3A_140 = tpu.memref_squeeze %dma_wait3A_139 : memref<1x4096xf32, #tpu.memory_space<hbm>> -> memref<4096xf32, #tpu.memory_space<hbm>>
            tpu.wait_dma2 semaphore(%arg10 : memref<!tpu.dma_semaphore, #tpu.memory_space<semaphore_mem>>) src(%dma_wait3A_140 : memref<4096xf32, #tpu.memory_space<hbm>>) dst(%arg7 : memref<4096xf32, #tpu.memory_space<vmem>>)
          } else {
          }
          %parallel_loop3A = arith.constant 0 : i32
          %parallel_loop3A_131 = arith.constant 4096 : i32
          %parallel_loop3A_132 = arith.constant 16 : i32
          scf.for %parallel_loop3A_137 = %parallel_loop3A to %parallel_loop3A_131 step %parallel_loop3A_132  : i32 {
            %parallel_loop3A_138 = arith.addi %mul3A_81, %parallel_loop3A_137 : i32
            %parallel_loop3A_139 = arith.index_cast %parallel_loop3A_138 : i32 to index
            %parallel_loop3A_140 = tpu.vector_load %arg6[%parallel_loop3A_139] {strides = array<i32>} : memref<16384xi32, #tpu.memory_space<vmem>>, vector<16xi32>,
            %parallel_loop3A_141 = tpu.vector_load_idx %arg5[%parallel_loop3A_140] : memref<100000xf32, #tpu.memory_space<vmem>>[vector<16xi32>], vector<16xf32>,
            %parallel_loop3A_142 = arith.index_cast %parallel_loop3A_137 : i32 to index
            %parallel_loop3A_143 = tpu.vector_load %arg7[%parallel_loop3A_142] {strides = array<i32>} : memref<4096xf32, #tpu.memory_space<vmem>>, vector<16xf32>,
            tpu.vector_store %arg7[%parallel_loop3A_142], %parallel_loop3A_141 {strides = array<i32>} : memref<4096xf32, #tpu.memory_space<vmem>>, vector<16xf32>,
          } {sc.loop_unroll_factor = 8 : i64, sc.parallel_access}
          %dma_start3A_133 = tpu.memref_slice %arg4[%add3A_25, %mul3A_81] : memref<832x16384xf32, #tpu.memory_space<hbm>> -> memref<1x4096xf32, #tpu.memory_space<hbm>>
          %dma_start3A_134 = tpu.memref_squeeze %dma_start3A_133 : memref<1x4096xf32, #tpu.memory_space<hbm>> -> memref<4096xf32, #tpu.memory_space<hbm>>
          %dma_start3A_135 = tpu.memref_slice %arg4[%add3A_25, %mul3A_81] : memref<832x16384xf32, #tpu.memory_space<hbm>> -> memref<1x4096xf32, #tpu.memory_space<hbm>>
          %dma_start3A_136 = tpu.memref_squeeze %dma_start3A_135 : memref<1x4096xf32, #tpu.memory_space<hbm>> -> memref<4096xf32, #tpu.memory_space<hbm>>
          tpu.enqueue_dma source(%arg7 : memref<4096xf32, #tpu.memory_space<vmem>>) target(%dma_start3A_136 : memref<4096xf32, #tpu.memory_space<hbm>>) target_semaphore(%arg10 : memref<!tpu.dma_semaphore, #tpu.memory_space<semaphore_mem>>)
        } else {
        }
        %jit3A_106 = arith.constant 2 : i32
        %eq3A_107 = arith.constant 0 : i32
        %eq3A_108 = arith.cmpi eq, %jit3A_106, %eq3A_107 : i32
        %jit3A_109 = arith.constant 1 : i32
        %select_n3A_110 = arith.select %eq3A_108, %jit3A_109, %jit3A_106 : i32
        %rem3A_111 = arith.remsi %scan3A_79, %select_n3A_110 : i32
        %ne3A_112 = arith.constant 0 : i32
        %ne3A_113 = arith.cmpi ne, %rem3A_111, %ne3A_112 : i32
        %lt3A_114 = arith.constant 0 : i32
        %lt3A_115 = arith.cmpi slt, %rem3A_111, %lt3A_114 : i32
        %lt3A_116 = arith.constant 0 : i32
        %lt3A_117 = arith.cmpi slt, %select_n3A_110, %lt3A_116 : i32
        %ne3A_118 = arith.xori %lt3A_115, %lt3A_117 : i1
        %and3A_119 = arith.andi %ne3A_118, %ne3A_113 : i1
        %add3A_120 = arith.addi %rem3A_111, %select_n3A_110 : i32
        %select_n3A_121 = arith.select %and3A_119, %add3A_120, %rem3A_111 : i32
        %eq3A_122 = arith.constant 1 : i32
        %eq3A_123 = arith.cmpi eq, %select_n3A_121, %eq3A_122 : i32
        %convert_element_type3A_124 = arith.extui %eq3A_123 : i1 to i32
        %cond3A_125 = arith.constant 0 : i32
        %cond3A_126 = arith.cmpi ne, %convert_element_type3A_124, %cond3A_125 : i32
        scf.if %cond3A_126 {
          %ge3A = arith.constant 2 : i32
          %ge3A_127 = arith.cmpi sge, %add3A_84, %ge3A : i32
          %convert_element_type3A_128 = arith.extui %ge3A_127 : i1 to i32
          %cond3A_129 = arith.constant 0 : i32
          %cond3A_130 = arith.cmpi ne, %convert_element_type3A_128, %cond3A_129 : i32
          scf.if %cond3A_130 {
            %dma_wait3A_137 = tpu.memref_slice %arg4[%add3A_25, %mul3A_81] : memref<832x16384xf32, #tpu.memory_space<hbm>> -> memref<1x4096xf32, #tpu.memory_space<hbm>>
            %dma_wait3A_138 = tpu.memref_squeeze %dma_wait3A_137 : memref<1x4096xf32, #tpu.memory_space<hbm>> -> memref<4096xf32, #tpu.memory_space<hbm>>
            %dma_wait3A_139 = tpu.memref_slice %arg4[%add3A_25, %mul3A_81] : memref<832x16384xf32, #tpu.memory_space<hbm>> -> memref<1x4096xf32, #tpu.memory_space<hbm>>
            %dma_wait3A_140 = tpu.memref_squeeze %dma_wait3A_139 : memref<1x4096xf32, #tpu.memory_space<hbm>> -> memref<4096xf32, #tpu.memory_space<hbm>>
            tpu.wait_dma2 semaphore(%arg11 : memref<!tpu.dma_semaphore, #tpu.memory_space<semaphore_mem>>) src(%dma_wait3A_140 : memref<4096xf32, #tpu.memory_space<hbm>>) dst(%arg8 : memref<4096xf32, #tpu.memory_space<vmem>>)
          } else {
          }
          %parallel_loop3A = arith.constant 0 : i32
          %parallel_loop3A_131 = arith.constant 4096 : i32
          %parallel_loop3A_132 = arith.constant 16 : i32
          scf.for %parallel_loop3A_137 = %parallel_loop3A to %parallel_loop3A_131 step %parallel_loop3A_132  : i32 {
            %parallel_loop3A_138 = arith.addi %mul3A_81, %parallel_loop3A_137 : i32
            %parallel_loop3A_139 = arith.index_cast %parallel_loop3A_138 : i32 to index
            %parallel_loop3A_140 = tpu.vector_load %arg6[%parallel_loop3A_139] {strides = array<i32>} : memref<16384xi32, #tpu.memory_space<vmem>>, vector<16xi32>,
            %parallel_loop3A_141 = tpu.vector_load_idx %arg5[%parallel_loop3A_140] : memref<100000xf32, #tpu.memory_space<vmem>>[vector<16xi32>], vector<16xf32>,
            %parallel_loop3A_142 = arith.index_cast %parallel_loop3A_137 : i32 to index
            %parallel_loop3A_143 = tpu.vector_load %arg8[%parallel_loop3A_142] {strides = array<i32>} : memref<4096xf32, #tpu.memory_space<vmem>>, vector<16xf32>,
            tpu.vector_store %arg8[%parallel_loop3A_142], %parallel_loop3A_141 {strides = array<i32>} : memref<4096xf32, #tpu.memory_space<vmem>>, vector<16xf32>,
          } {sc.loop_unroll_factor = 8 : i64, sc.parallel_access}
          %dma_start3A_133 = tpu.memref_slice %arg4[%add3A_25, %mul3A_81] : memref<832x16384xf32, #tpu.memory_space<hbm>> -> memref<1x4096xf32, #tpu.memory_space<hbm>>
          %dma_start3A_134 = tpu.memref_squeeze %dma_start3A_133 : memref<1x4096xf32, #tpu.memory_space<hbm>> -> memref<4096xf32, #tpu.memory_space<hbm>>
          %dma_start3A_135 = tpu.memref_slice %arg4[%add3A_25, %mul3A_81] : memref<832x16384xf32, #tpu.memory_space<hbm>> -> memref<1x4096xf32, #tpu.memory_space<hbm>>
          %dma_start3A_136 = tpu.memref_squeeze %dma_start3A_135 : memref<1x4096xf32, #tpu.memory_space<hbm>> -> memref<4096xf32, #tpu.memory_space<hbm>>
          tpu.enqueue_dma source(%arg8 : memref<4096xf32, #tpu.memory_space<vmem>>) target(%dma_start3A_136 : memref<4096xf32, #tpu.memory_space<hbm>>) target_semaphore(%arg11 : memref<!tpu.dma_semaphore, #tpu.memory_space<semaphore_mem>>)
        } else {
        }
      }
      %scan3A_78 = arith.constant 4 : i32
    }
    %scan3A_5 = arith.constant 26 : i32
    %mul3A_6 = arith.constant 26 : i32
    %mul3A_7 = arith.muli %add3A, %mul3A_6 : i32
    %add3A_8 = arith.constant 26 : i32
    %add3A_9 = arith.addi %mul3A_7, %add3A_8 : i32
    %sub3A = arith.constant 1 : i32
    %sub3A_10 = arith.subi %add3A_9, %sub3A : i32
    %dma_wait3A = arith.constant 0 : i32
    %dma_wait3A_11 = tpu.memref_slice %arg4[%sub3A_10, %dma_wait3A] : memref<832x16384xf32, #tpu.memory_space<hbm>> -> memref<1x4096xf32, #tpu.memory_space<hbm>>
    %dma_wait3A_12 = tpu.memref_squeeze %dma_wait3A_11 : memref<1x4096xf32, #tpu.memory_space<hbm>> -> memref<4096xf32, #tpu.memory_space<hbm>>
    %dma_wait3A_13 = arith.constant 0 : i32
    %dma_wait3A_14 = tpu.memref_slice %arg4[%sub3A_10, %dma_wait3A_13] : memref<832x16384xf32, #tpu.memory_space<hbm>> -> memref<1x4096xf32, #tpu.memory_space<hbm>>
    %dma_wait3A_15 = tpu.memref_squeeze %dma_wait3A_14 : memref<1x4096xf32, #tpu.memory_space<hbm>> -> memref<4096xf32, #tpu.memory_space<hbm>>
    tpu.wait_dma2 semaphore(%arg10 : memref<!tpu.dma_semaphore, #tpu.memory_space<semaphore_mem>>) src(%dma_wait3A_15 : memref<4096xf32, #tpu.memory_space<hbm>>) dst(%arg7 : memref<4096xf32, #tpu.memory_space<vmem>>)
    %dma_wait3A_16 = arith.constant 0 : i32
    %dma_wait3A_17 = tpu.memref_slice %arg4[%sub3A_10, %dma_wait3A_16] : memref<832x16384xf32, #tpu.memory_space<hbm>> -> memref<1x4096xf32, #tpu.memory_space<hbm>>
    %dma_wait3A_18 = tpu.memref_squeeze %dma_wait3A_17 : memref<1x4096xf32, #tpu.memory_space<hbm>> -> memref<4096xf32, #tpu.memory_space<hbm>>
    %dma_wait3A_19 = arith.constant 0 : i32
    %dma_wait3A_20 = tpu.memref_slice %arg4[%sub3A_10, %dma_wait3A_19] : memref<832x16384xf32, #tpu.memory_space<hbm>> -> memref<1x4096xf32, #tpu.memory_space<hbm>>
    %dma_wait3A_21 = tpu.memref_squeeze %dma_wait3A_20 : memref<1x4096xf32, #tpu.memory_space<hbm>> -> memref<4096xf32, #tpu.memory_space<hbm>>
    tpu.wait_dma2 semaphore(%arg11 : memref<!tpu.dma_semaphore, #tpu.memory_space<semaphore_mem>>) src(%dma_wait3A_21 : memref<4096xf32, #tpu.memory_space<hbm>>) dst(%arg8 : memref<4096xf32, #tpu.memory_space<vmem>>)
    return
  }
}

</mosaic_0001>

<sc_bundles>
// kernel: kernel.3.cloned.1.call-start
scs
__scs_entry_jumppad:
0x0: {  	(pc) =	sbr.rel $0x88, $3  }
0x1: {  	(tag) =	ssettag $0x0;
	lr =	simm.s32 $0x1  }
0x2: {  	[smem:$0x3F9F] =	sst lr;
	_ =	strace $0xD0000000  }
0x3: {  	_ = 	snop  }
0x4: {  	_ = 	snop  }
0x5: {  	_ = 	snop  }
0x6: {  	_ = 	snop  }
0x7: {  	_ = 	snop  }
__scs_overlays_trampoline_lowered:
0x8: {  	[smem:$0x3FAE] =	sst s0  }
0x9: {  	[smem:$0x3FAF] =	sst s1  }
0xa: {  	[smem:$0x3FB0] =	sst s2  }
0xb: {  	[smem:$0x3FB1] =	sst s3  }
0xc: {  	[smem:$0x3FB2] =	sst s4  }
0xd: {  	[smem:$0x3FB3] =	sst s5  }
0xe: {  	[smem:$0x3FB4] =	sst s6  }
0xf: {  	[smem:$0x3FB5] =	sst s7  }
0x10: {  	[smem:$0x3FB6] =	sst s8  }
0x11: {  	[smem:$0x3FB7] =	sst s9;
	s0 =	simm.s32 @!p0 $0x0  }
0x12: {  	s1 =	sld [smem:$0x3F9D];
	s0 =	simm.s32 @p0 $0x1  }
0x13: {  	[smem:$0x3FB8] =	sst s0;
	s0 =	simm.s32 @!p1 $0x0  }
0x14: {  	s2 =	sld [smem:$0x3F9C];
	s0 =	simm.s32 @p1 $0x1  }
0x15: {  	[smem:$0x3FB9] =	sst s0;
	s0 =	simm.s32 @!p2 $0x0  }
0x16: {  	s3 =	sld [smem:$0x3FDB];
	s0 =	simm.s32 @p2 $0x1  }
0x17: {  	s4 =	simm.s32 $0x1BF5;
	[smem:$0x3FBB] =	sst s0  }
0x18: {  	s0 =	sld [smem:$0x3F9E];
	_ =	swait.ge [sflag:s4], $0x0  }
0x19: {  	s7 =	sld [smem:$0x3F9F]  }
0x1a: {  	s8 =	sadd.s32 $0xFFFFE003, lr  }
0x1b: {  	s9 =	sadd.s32 $0xFFFFFEF7, lr;
	s5 =	simm.s32 $0xFFFFFFFF;
	p2 =	slt.u32 s8, $0xFFFFF086  }
0x1c: {  	p1 =	slt.u32 s9, $0xF7A;
	s5 =	simm.s32 @!p2 $0x0  }
0x1d: {  	s5 =	simm.s32 @p1 $0x1;
	p0 =	seq.s32 s7, s2  }
0x1e: {  	s7 =	smul.u32 @!p0 $0xF7A, s2;
	p2 =	seq.s32 @!p0 s5, $0x0  }
0x1f: {  	s9 =	smul.u32 $0xF7A, s1;
	s8 =	simm.s32 @!p0 $0x1BF5;
	p2 =	por !p2, p0  }
0x20: {  	[sflag:s8] =	ssyncset.s32 @!p0 $0xFFFFF086;
	s6 =	sadd.s32 @!p0 s3, s7;
	s7 =	simm.s32 @!p0 $0x108  }
0x21: {  	s3 =	sadd.s32 s3, s9;
	s6 =	sadd.s32 @!p0 $0x88, s6;
	s7 =	simm.s32 @p2 $0x1082  }
0x22: {  	[simem:s7], [sflag:s8] =	dma.local @!p0 [hbm:s6], $0xF7A  }
0x23: {  	s9 =	sor.u32 $0xD0000000, s2;
	s6 =	simm.s32 $0x108;
	_ =	swait.ge @!p0 [sflag:s8], $0x0  }
0x24: {  	s3 =	sadd.s32 $0x88, s3;
	s6 =	simm.s32 @!p1 $0x1082;
	[sflag:s4] =	ssyncset.s32 $0xFFFFF086  }
0x25: {  	[simem:s6], [sflag:s4] =	dma.local [hbm:s3], $0xF7A  }
0x26: {  	[smem:$0x3F9F] =	sst s1;
	(tag) =	ssettag s2;
	_ =	strace s9  }
0x27: {  	s1 =	sld [smem:$0x3FAF]  }
0x28: {  	s2 =	sld [smem:$0x3FB0]  }
0x29: {  	s4 =	sld [smem:$0x3FB2]  }
0x2a: {  	p0 =	seq.s32 s5, $0x0;
	s5 =	sld [smem:$0x3FB3]  }
0x2b: {  	s6 =	sld [smem:$0x3FB4]  }
0x2c: {  	s7 =	sld [smem:$0x3FB5]  }
0x2d: {  	s3 =	simm.s32 $0x108;
	s8 =	sld [smem:$0x3FB6]  }
0x2e: {  	s3 =	simm.s32 @!p0 $0x1082;
	s9 =	sld [smem:$0x3FB7]  }
0x2f: {  	lr =	sadd.s32 s0, s3;
	s0 =	sld [smem:$0x3FAE]  }
0x30: {  	s3 =	sld [smem:$0x3FB1]  }
0x31: {  	[smem:$0x3FBA] =	sst s10  }
0x32: {  	s10 =	sld [smem:$0x3FB8];
	_ =	sdelay $0x3  }
0x33: {  	p0 =	seq.s32 s10, $0x1;
	s10 =	sld [smem:$0x3FBA];
	_ =	sdelay $0x3  }
0x34: {  	[smem:$0x3FBA] =	sst s10  }
0x35: {  	s10 =	sld [smem:$0x3FB9];
	_ =	sdelay $0x3  }
0x36: {  	p1 =	seq.s32 s10, $0x1;
	s10 =	sld [smem:$0x3FBA];
	_ =	sdelay $0x3  }
0x37: {  	[smem:$0x3FBA] =	sst s10  }
0x38: {  	s10 =	sld [smem:$0x3FBB]  }
0x39: {  	_ = 	snop;
	(pc) =	sbr.ind lr, $3  }
0x3a: {  	_ = 	snop  }
0x3b: {  	_ = 	snop  }
0x3c: {  	p2 =	seq.s32 s10, $0x1;
	s10 =	sld [smem:$0x3FBA]  }
0x3d: {  	_ =	shalt  }
0x3e: {  	_ =	shalt  }
0x3f: {  	_ =	shalt  }
0x40: {  	_ =	shalt  }
0x41: {  	_ =	shalt  }
0x42: {  	_ =	shalt  }
0x43: {  	_ =	shalt  }
0x44: {  	_ =	shalt  }
0x45: {  	_ =	shalt  }
0x46: {  	_ =	shalt  }
0x47: {  	_ =	shalt  }
0x48: {  	_ =	shalt  }
0x49: {  	_ =	shalt  }
0x4a: {  	_ =	shalt  }
0x4b: {  	_ =	shalt  }
0x4c: {  	_ =	shalt  }
0x4d: {  	_ =	shalt  }
0x4e: {  	_ =	shalt  }
0x4f: {  	_ =	shalt  }
0x50: {  	_ =	shalt  }
0x51: {  	_ =	shalt  }
0x52: {  	_ =	shalt  }
0x53: {  	_ =	shalt  }
0x54: {  	_ =	shalt  }
0x55: {  	_ =	shalt  }
0x56: {  	_ =	shalt  }
0x57: {  	_ =	shalt  }
0x58: {  	_ =	shalt  }
0x59: {  	_ =	shalt  }
0x5a: {  	_ =	shalt  }
0x5b: {  	_ =	shalt  }
0x5c: {  	_ =	shalt  }
0x5d: {  	_ =	shalt  }
0x5e: {  	_ =	shalt  }
0x5f: {  	_ =	shalt  }
0x60: {  	_ =	shalt  }
0x61: {  	_ =	shalt  }
0x62: {  	_ =	shalt  }
0x63: {  	_ =	shalt  }
0x64: {  	_ =	shalt  }
0x65: {  	_ =	shalt  }
0x66: {  	_ =	shalt  }
0x67: {  	_ =	shalt  }
0x68: {  	_ =	shalt  }
0x69: {  	_ =	shalt  }
0x6a: {  	_ =	shalt  }
0x6b: {  	_ =	shalt  }
0x6c: {  	_ =	shalt  }
0x6d: {  	_ =	shalt  }
0x6e: {  	_ =	shalt  }
0x6f: {  	_ =	shalt  }
0x70: {  	_ =	shalt  }
0x71: {  	_ =	shalt  }
0x72: {  	_ =	shalt  }
0x73: {  	_ =	shalt  }
0x74: {  	_ =	shalt  }
0x75: {  	_ =	shalt  }
0x76: {  	_ =	shalt  }
0x77: {  	_ =	shalt  }
0x78: {  	_ =	shalt  }
0x79: {  	_ =	shalt  }
0x7a: {  	_ =	shalt  }
0x7b: {  	_ =	shalt  }
0x7c: {  	_ =	shalt  }
0x7d: {  	_ =	shalt  }
0x7e: {  	_ =	shalt  }
0x7f: {  	_ =	shalt  }
0x80: {  	_ =	shalt  }
0x81: {  	_ =	shalt  }
0x82: {  	_ =	shalt  }
0x83: {  	_ =	shalt  }
0x84: {  	_ =	shalt  }
0x85: {  	_ =	shalt  }
0x86: {  	_ =	shalt  }
0x87: {  	_ =	shalt  }
.Lfunc_end0:
.L_simem_size_0:
called_computation_lowered:
.L_overlay_start_0:
0x88: {  	s2 =	sld [smem:$0x3FD9]  }
0x89: {  	s3 =	sld [smem:$0x3FFE];
	_ =	sdelay $0x1  }
0x8a: {  	s1 =	srdreg.scid  }
0x8b: {  	s0 =	sand.u32 $0x1, s1  }
0x8c: {  	s18 =	sshll.u32 s0, $0xA;
	s2 =	sadd.s32 s3, s2  }
0x8d: {  	s2 =	sadd.s32 s2, s18  }
0x8e: {  	[smem:$0x3FC6] =	sst s2  }
0x8f: {  	_ = 	snop  }
0x90: {  	s2 =	sld [smem:$0x3FC9]  }
0x91: {  	s19 =	sld [smem:$0x3FC8]  }
0x92: {  	s4 =	sld [smem:$0x3FD0];
	(tm) =	ssettm $0x1  }
0x93: {  	s5 =	sld [smem:$0x3FFB];
	_ =	sdelay $0x3  }
0x94: {  	_ =	strace s5  }
0x95: {  	s5 =	sld [smem:$0x3FFC];
	_ =	sdelay $0x3  }
0x96: {  	_ =	strace s5  }
0x97: {  	s5 =	sld [smem:$0x3FFD];
	_ =	sdelay $0x3  }
0x98: {  	_ =	strace s5  }
0x99: {  	_ =	strace $0x8FFFFFFF  }
0x9a: {  	s20 =	sld [smem:$0x3FDB];
	_ =	sdelay $0x1  }
0x9b: {  	s6 =	simm.s32 $_scs_section_size  }
0x9c: {  	s7 =	simm.s32 $_size__tile_overlayer_lowered;
	s8 =	simm.s32 $_tile_overlayer_lowered  }
0x9d: {  	s23 =	simm.s32 $0x1BFF;
	s22 =	sshll.u32 s8, $0x1;
	s5 =	sadd.s32 s6, s20  }
0x9e: {  	s9 =	simm.s32 $0x0;
	s21 =	sshll.u32 s7, $0x1;
	s7 =	sadd.s32 s22, s5  }
0x9f: {  	[timem:s9], [sflag:s23] =	dma.local [hbm:s7], s21  }
0xa0: {  	_ =	swait.ge [sflag:s23], s21  }
0xa1: {  	s6 =	ssub.s32 $0x0, s21;
	[sflag:s23] =	ssyncset.done $0x0  }
0xa2: {  	[sflag:s23] =	ssyncadd.s32 s6;
	_ =	sdelay $0x1  }
0xa3: {  	s24 =	simm.s32 $0x1B8B  }
0xa4: {  	_ =	swait.ge [sflag:s24], $0x1  }
0xa5: {  	[sflag:s24] =	ssyncset.done $0x0  }
0xa6: {  	s25 =	simm.s32 $0x1B8E;
	[sflag:s24] =	ssyncadd.s32 $0xFFFFFFFF  }
0xa7: {  	s26 =	simm.s32 $execute0_lowered;
	[smem:$0x3FD2] =	sst s25  }
0xa8: {  	s6 =	sshll.u32 s26, $0x1;
	_ =	strace $0x80000046;
	[dreg:$0x1] =	wrdreg $0xFFFFFFFF  }
0xa9: {  	s28 =	simm.s32 $_size_execute0_lowered;
	s5 =	sadd.s32 s5, s6;
	[dreg:$0x0] =	wrdreg $0x0  }
0xaa: {  	s6 =	sshll.u32 s28, $0x1;
	[dreg:$0x2] =	wrdreg s5  }
0xab: {  	[dreg:$0x3] =	wrdreg s6  }
0xac: {  	[dreg:$0x4] =	wrdreg $0xC0  }
0xad: {  	_ =	task [dreg:s9], $0x5FFFF  }
0xae: {  	[dreg:$0x1] =	wrdreg $0xFFFFFFFF  }
0xaf: {  	[dreg:$0x0] =	wrdreg $0x60  }
0xb0: {  	[dreg:$0x2] =	wrdreg s19  }
0xb1: {  	[dreg:$0x3] =	wrdreg s2  }
0xb2: {  	[dreg:$0x4] =	wrdreg s4  }
0xb3: {  	[dreg:$0x5] =	wrdreg $0x9  }
0xb4: {  	_ =	task.clear_ibuf [dreg:s9], $0x6FFFF;
	_ =	strace $0x90000046  }
0xb5: {  	s29 =	simm.s32 $0x9;
	_ =	strace $0x80000048  }
0xb6: {  	_ =	swait.ge [sflag:s29], $0x1  }
0xb7: {  	[sflag:s29] =	ssyncadd.s32 $0xFFFFFFFF  }
0xb8: {  	_ =	strace $0x90000048  }
0xb9: {  	_ =	sfence  }
0xba: {  	s30 =	sld [smem:$0x0];
	_ =	sdelay $0x2  }
0xbb: {  	s31 =	sshll.u32 s1, $0xD;
	s1 =	sshrl.u32 s1, $0x2  }
0xbc: {  	s3 =	sand.u32 $0x4000, s31;
	s1 =	sadd.s32 s1, s30  }
0xbd: {  	s0 =	sor.u32 s3, s0;
	s1 =	sshll.u32 s1, $0x11  }
0xbe: {  	s0 =	sor.u32 s1, s0  }
0xbf: {  	s0 =	sadd.s32 $0x8F2B, s0  }
0xc0: {  	[sflag:s0] =	ssyncadd.remote.s32 $0x1  }
0xc1: {  	_ =	sfence.sel $0xFFFF  }
0xc2: {  	[dreg:$0x0] =	wrdreg $0xFFFFFFFF;
	(pc) =	sbr.abs _section_cstart, $3  }
0xc3: {  	[dreg:$0x1] =	wrdreg $0xFFFFFFFF  }
0xc4: {  	_ =	task.clear_ibuf [dreg:s9], $0x2FFFF;
	_ =	strace $0x9FFFFFFF  }
0xc5: {  	(tm) =	ssettm $0x7FFFFFFF  }
tec
execute0_lowered:
.L_overlay_start_1:
0x0: {  	(tag) =	ssettag $0x1  }
0x1: {  	s1 =	rddreg [dreg:$0x0]  }
0x2: {  	s2 =	rddreg [dreg:$0x1]  }
0x3: {  	s3 =	rddreg [dreg:$0x2];
	s4 =	srdreg.scid  }
0x4: {  	s0 =	rddreg [dreg:$0x3];
	s5 =	simm.s32 $0x0;
	s10 =	simm.s32 $0x18700  }
0x5: {  	s11 =	simm.s32 $0x4;
	s12 =	simm.s32 $0x1;
	s13 =	simm.s32 $0x1D700  }
0x6: {  	s14 =	simm.s32 $0x2;
	s15 =	simm.s32 $0x3;
	s16 =	simm.s32 $0x1C700  }
.Ltmp0:
0x7: {  	s17 =	simm.s32 $0x0;
	s6 =	sand.u32 $0x1, s4;
	(pc) =	sbr.rel .LBB2_1-.Ltmp0, $4  }
0x8: {  	s4 =	stileid.u32;
	[smem:$0x7FF] =	sst s5;
	s7 =	ssub.s32 $0x2, s6  }
0x9: {  	s9 =	sshll.u32 s4, $0x1;
	_ =	strace $0x80000047;
	s8 =	sshrl.u32 s7, $0x1  }
0xa: {  	s6 =	sor.u32 s6, s9;
	s9 =	simm.s32 $0x400;
	s7 =	ssub.s32 s7, s8  }
0xb: {  	s6 =	smul.u32 $0x1A, s6;
	s8 =	simm.s32 $0x80;
	s7 =	smax.u32 s7, $0x1  }
.LBB2_12:
0xc: {  	s17 =	sadd.s32 $0x1, s17  }
0xd: {  	_ =	swait.ge [sflag:s14], $0x1000;
	p0 =	sne.s32 s17, s7  }
.Ltmp1:
0xe: {  	[sflag:s14] =	ssyncset.done $0x0;
	(pc) =	sbr.rel @!p0 .LBB2_13-.Ltmp1, $4  }
0xf: {  	[sflag:s14] =	ssyncadd.s32 $0xFFFFF000  }
0x10: {  	_ =	swait.ge [sflag:s15], $0x1000  }
0x11: {  	[sflag:s15] =	ssyncset.done $0x0  }
0x12: {  	[sflag:s15] =	ssyncadd.s32 $0xFFFFF000  }
.LBB2_1:
.Ltmp2:
0x13: {  	(pc) =	sbr.rel .LBB2_2-.Ltmp2, $2  }
0x14: {  	_ =	sdelay $0x2  }
0x15: {  	s18 =	simm.s32 $0x0  }
.LBB2_11:
0x16: {  	s18 =	sadd.s32 $0x1, s18  }
0x17: {  	p0 =	sne.s32 s18, $0x1A  }
.Ltmp3:
0x18: {  	_ = 	snop;
	(pc) =	sbr.rel @!p0 .LBB2_12-.Ltmp3, $1  }
0x19: {  	_ =	sdelay $0x3  }
.LBB2_2:
0x1a: {  	s19 =	sadd.s32 s6, s18  }
0x1b: {  	s20 =	sshrl.u32 s19, $0x5;
	s21 =	sand.u32 $0x1F, s19  }
0x1c: {  	s22 =	smul.u32 $0x30E000, s20;
	s23 =	sshrl.u32 s21, $0x3  }
0x1d: {  	p0 =	seq.s32 s18, $0x0;
	s23 =	smul.u32 $0xC3800, s23  }
0x1e: {  	s24 =	sshll.u32 s19, $0x7;
	p1 =	sne.s32 @!p0 s21, $0x0  }
0x1f: {  	s29 =	sand.u32 $0x380, s24;
	p0 =	por p0, !p1;
	s22 =	sadd.s32 s22, s23  }
0x20: {  	s21 =	sshll.u32 @p0 s20, $0x4;
	s22 =	sor.u32 s29, s22  }
0x21: {  	s20 =	sshll.u32 @p0 s20, $0xB;
	s21 =	sand.u32 @p0 $0x70, s21;
	s22 =	sshrl.u32 s22, $0x3  }
0x22: {  	s20 =	sand.u32 @p0 $0xFFFC000, s20;
	s21 =	sadd.s32 @p0 s2, s21;
	s22 =	sadd.s32 s1, s22  }
0x23: {  	[tilespmem:s5], [sflag:$0x1] =	stream.strided.gather [hbm4b:s22+s8], $0x18700, s9, s8, $0x38;
	[tilespmem:$0x1E700] =	vst v63  }
0x24: {  	s20 =	sadd.s32 @p0 s20, s21  }
0x25: {  	[tilespmem:s10], [sflag:$0x4] =	stream.strided.gather @p0 [hbm4b:s20+s8], $0x4000, s9, s8, $0x38;
	[tilespmem:$0x1E700] =	vst v63  }
0x26: {  	s30 =	sshll.u32 s19, $0xB;
	_ =	swait.ge @p0 [sflag:s11], $0x4000  }
.Ltmp4:
0x27: {  	s19 =	sshll.u32 s19, $0x4;
	[sflag:s11] =	ssyncset.done @p0 $0x0;
	(pc) =	sbr.rel .LBB2_3-.Ltmp4, $4  }
0x28: {  	s31 =	sand.u32 $0x70, s19;
	[sflag:s11] =	ssyncadd.s32 @p0 $0xFFFFC000  }
0x29: {  	s19 =	sshll.u32 s18, $0x2;
	s20 =	sand.u32 $0xFFFC000, s30;
	_ =	swait.ge [sflag:s12], $0x18700  }
0x2a: {  	s21 =	simm.s32 $0x0;
	s20 =	sor.u32 s31, s20;
	[sflag:s12] =	ssyncset.done $0x0  }
0x2b: {  	s22 =	simm.s32 $0x18740;
	s20 =	sadd.s32 s3, s20;
	[sflag:s12] =	ssyncadd.s32 $0xFFFE7900  }
.LBB2_9:
0x2c: {  	[tilespmem:s24+$0xFFFFFFE0] =	vst v5  }
0x2d: {  	[tilespmem:s24+$0xFFFFFFF0] =	vst v3  }
0x2e: {  	[tilespmem:s24+$0x0] =	vst v0  }
0x2f: {  	[tilespmem:s24+$0x10] =	vst v1  }
0x30: {  	[tilespmem:s24+$0x20] =	vst v2  }
0x31: {  	[tilespmem:s24+$0xFFFFFFC0] =	vst v4;
	s23 =	sadd.s32 s23, s20  }
0x32: {  	[hbm4b:s23+s8] =	stream.strided.scatter [tilespmem:s13], [sflag:$0x3], $0x1000, s9, s8, $0x38;
	[tilespmem:$0x1E700] =	vst v63  }
.LBB2_10:
0x33: {  	s21 =	sadd.s32 $0x1, s21  }
0x34: {  	p0 =	sne.s32 s21, $0x4  }
.Ltmp5:
0x35: {  	_ = 	snop;
	(pc) =	sbr.rel @!p0 .LBB2_11-.Ltmp5, $2  }
0x36: {  	_ =	sdelay $0x2  }
0x37: {  	s22 =	sadd.s32 $0x1000, s22  }
.LBB2_3:
0x38: {  	s25 =	sand.u32 $0x1, s21  }
0x39: {  	p0 =	seq.s32 s25, $0x1  }
.Ltmp6:
0x3a: {  	_ = 	snop;
	(pc) =	sbr.rel @p0 .LBB2_7-.Ltmp6, $2  }
0x3b: {  	_ =	sdelay $0x2  }
0x3c: {  	s23 =	sshll.u32 s21, $0xC;
	s24 =	sadd.s32 s19, s21  }
0x3d: {  	p0 =	slt.u32 s24, $0x2  }
0x3e: {  	s26 =	simm.s32 @!p0 $0x2  }
0x3f: {  	_ =	swait.ge @!p0 [sflag:s26], $0x1000  }
0x40: {  	[sflag:s26] =	ssyncset.done @!p0 $0x0  }
0x41: {  	[sflag:s26] =	ssyncadd.s32 @!p0 $0xFFFFF000  }
0x42: {  	v0 =	vld [tilespmem:s22+$0x30]  }
0x43: {  	v1 =	vld [tilespmem:s22+$0xFFFFFFD0]  }
0x44: {  	v2 =	vld [tilespmem:s22+$0xFFFFFFE0]  }
0x45: {  	v3 =	vld [tilespmem:s22+$0xFFFFFFF0]  }
0x46: {  	v4 =	vld [tilespmem:s22+$0x0]  }
0x47: {  	v6 =	vld [tilespmem:s22+$0x10]  }
0x48: {  	v7 =	vld [tilespmem:s22+$0x20]  }
0x49: {  	v8 =	vld [tilespmem:s22+$0xFFFFFFC0]  }
0x4a: {  	v9 =	vld.idx.msk [tilespmem:v0+s5+$0x0], $0xffff  }
0x4b: {  	v10 =	vld.idx.msk [tilespmem:v1+s5+$0x0], $0xffff  }
0x4c: {  	v5 =	vld.idx.msk [tilespmem:v2+s5+$0x0], $0xffff  }
0x4d: {  	v3 =	vld.idx.msk [tilespmem:v3+s5+$0x0], $0xffff  }
0x4e: {  	v0 =	vld.idx.msk [tilespmem:v4+s5+$0x0], $0xffff  }
0x4f: {  	s26 =	simm.s32 $0x1C740;
	v1 =	vld.idx.msk [tilespmem:v6+s5+$0x0], $0xffff  }
0x50: {  	v2 =	vld.idx.msk [tilespmem:v7+s5+$0x0], $0xffff;
	[tilespmem:s26+$0x30] =	vst v9  }
0x51: {  	s28 =	simm.s32 $0x0;
	s29 =	sadd.s32 $0x80, s22;
	v4 =	vld.idx.msk [tilespmem:v8+s5+$0x0], $0xffff;
	[tilespmem:s26+$0xFFFFFFD0] =	vst v10  }
.LBB2_5:
0x52: {  	v6 =	vld [tilespmem:s29+$0x30];
	s28 =	sadd.s32 $0x80, s28;
	[tilespmem:s26+$0xFFFFFFE0] =	vst v5  }
0x53: {  	v5 =	vld [tilespmem:s29+$0xFFFFFFD0];
	p0 =	slt.u32 s28, $0xF80;
	[tilespmem:s26+$0xFFFFFFF0] =	vst v3  }
0x54: {  	v3 =	vld [tilespmem:s29+$0xFFFFFFE0];
	[tilespmem:s26+$0x0] =	vst v0  }
0x55: {  	v0 =	vld [tilespmem:s29+$0xFFFFFFF0];
	[tilespmem:s26+$0x10] =	vst v1  }
0x56: {  	v1 =	vld [tilespmem:s29+$0x0];
	[tilespmem:s26+$0x20] =	vst v2  }
0x57: {  	v2 =	vld [tilespmem:s29+$0x10];
	[tilespmem:s26+$0xFFFFFFC0] =	vst v4  }
0x58: {  	v4 =	vld [tilespmem:s29+$0x20]  }
0x59: {  	v7 =	vld [tilespmem:s29+$0xFFFFFFC0]  }
0x5a: {  	v6 =	vld.idx.msk [tilespmem:v6+s5+$0x0], $0xffff  }
0x5b: {  	v8 =	vld.idx.msk [tilespmem:v5+s5+$0x0], $0xffff  }
0x5c: {  	v5 =	vld.idx.msk [tilespmem:v3+s5+$0x0], $0xffff  }
.Ltmp7:
0x5d: {  	v3 =	vld.idx.msk [tilespmem:v0+s5+$0x0], $0xffff;
	(pc) =	sbr.rel @p0 .LBB2_5-.Ltmp7, $4  }
0x5e: {  	v0 =	vld.idx.msk [tilespmem:v1+s5+$0x0], $0xffff  }
0x5f: {  	s26 =	sadd.s32 $0x80, s26;
	v1 =	vld.idx.msk [tilespmem:v2+s5+$0x0], $0xffff  }
0x60: {  	v2 =	vld.idx.msk [tilespmem:v4+s5+$0x0], $0xffff;
	[tilespmem:s26+$0x30] =	vst v6  }
0x61: {  	s29 =	sadd.s32 $0x80, s29;
	v4 =	vld.idx.msk [tilespmem:v7+s5+$0x0], $0xffff;
	[tilespmem:s26+$0xFFFFFFD0] =	vst v8  }
0x62: {  	[tilespmem:s26+$0xFFFFFFE0] =	vst v5  }
0x63: {  	[tilespmem:s26+$0xFFFFFFF0] =	vst v3;
	p0 =	seq.s32 s25, $0x0  }
.Ltmp8:
0x64: {  	[tilespmem:s26+$0x0] =	vst v0;
	(pc) =	sbr.rel @p0 .LBB2_10-.Ltmp8, $4  }
0x65: {  	[tilespmem:s26+$0x10] =	vst v1  }
0x66: {  	[tilespmem:s26+$0x20] =	vst v2  }
0x67: {  	s31 =	sadd.s32 s23, s20;
	[tilespmem:s26+$0xFFFFFFC0] =	vst v4  }
0x68: {  	[hbm4b:s31+s8] =	stream.strided.scatter [tilespmem:s16], [sflag:$0x2], $0x1000, s9, s8, $0x38;
	[tilespmem:$0x1E700] =	vst v63  }
.LBB2_7:
0x69: {  	p0 =	slt.u32 s24, $0x2  }
0x6a: {  	s24 =	simm.s32 @!p0 $0x3  }
0x6b: {  	_ =	swait.ge @!p0 [sflag:s24], $0x1000  }
0x6c: {  	[sflag:s24] =	ssyncset.done @!p0 $0x0  }
0x6d: {  	[sflag:s24] =	ssyncadd.s32 @!p0 $0xFFFFF000  }
0x6e: {  	v0 =	vld [tilespmem:s22+$0x30]  }
0x6f: {  	v1 =	vld [tilespmem:s22+$0xFFFFFFD0]  }
0x70: {  	v2 =	vld [tilespmem:s22+$0xFFFFFFE0]  }
0x71: {  	v3 =	vld [tilespmem:s22+$0xFFFFFFF0]  }
0x72: {  	v4 =	vld [tilespmem:s22+$0x0]  }
0x73: {  	v6 =	vld [tilespmem:s22+$0x10]  }
0x74: {  	v7 =	vld [tilespmem:s22+$0x20]  }
0x75: {  	v8 =	vld [tilespmem:s22+$0xFFFFFFC0]  }
0x76: {  	v9 =	vld.idx.msk [tilespmem:v0+s5+$0x0], $0xffff  }
0x77: {  	v10 =	vld.idx.msk [tilespmem:v1+s5+$0x0], $0xffff  }
0x78: {  	v5 =	vld.idx.msk [tilespmem:v2+s5+$0x0], $0xffff  }
0x79: {  	v3 =	vld.idx.msk [tilespmem:v3+s5+$0x0], $0xffff  }
0x7a: {  	v0 =	vld.idx.msk [tilespmem:v4+s5+$0x0], $0xffff  }
0x7b: {  	s24 =	simm.s32 $0x1D740;
	v1 =	vld.idx.msk [tilespmem:v6+s5+$0x0], $0xffff  }
0x7c: {  	v2 =	vld.idx.msk [tilespmem:v7+s5+$0x0], $0xffff;
	[tilespmem:s24+$0x30] =	vst v9  }
0x7d: {  	s25 =	simm.s32 $0x0;
	s26 =	sadd.s32 $0x80, s22;
	v4 =	vld.idx.msk [tilespmem:v8+s5+$0x0], $0xffff;
	[tilespmem:s24+$0xFFFFFFD0] =	vst v10  }
.LBB2_8:
0x7e: {  	v6 =	vld [tilespmem:s26+$0x30];
	s25 =	sadd.s32 $0x80, s25;
	[tilespmem:s24+$0xFFFFFFE0] =	vst v5  }
0x7f: {  	v5 =	vld [tilespmem:s26+$0xFFFFFFD0];
	p0 =	slt.u32 s25, $0xF80;
	[tilespmem:s24+$0xFFFFFFF0] =	vst v3  }
0x80: {  	v3 =	vld [tilespmem:s26+$0xFFFFFFE0];
	[tilespmem:s24+$0x0] =	vst v0  }
0x81: {  	v0 =	vld [tilespmem:s26+$0xFFFFFFF0];
	[tilespmem:s24+$0x10] =	vst v1  }
0x82: {  	v1 =	vld [tilespmem:s26+$0x0];
	[tilespmem:s24+$0x20] =	vst v2  }
0x83: {  	v2 =	vld [tilespmem:s26+$0x10];
	[tilespmem:s24+$0xFFFFFFC0] =	vst v4  }
0x84: {  	v4 =	vld [tilespmem:s26+$0x20]  }
0x85: {  	v7 =	vld [tilespmem:s26+$0xFFFFFFC0]  }
0x86: {  	v6 =	vld.idx.msk [tilespmem:v6+s5+$0x0], $0xffff  }
0x87: {  	v8 =	vld.idx.msk [tilespmem:v5+s5+$0x0], $0xffff  }
0x88: {  	v5 =	vld.idx.msk [tilespmem:v3+s5+$0x0], $0xffff  }
.Ltmp9:
0x89: {  	v3 =	vld.idx.msk [tilespmem:v0+s5+$0x0], $0xffff;
	(pc) =	sbr.rel @p0 .LBB2_8-.Ltmp9, $4  }
0x8a: {  	v0 =	vld.idx.msk [tilespmem:v1+s5+$0x0], $0xffff  }
0x8b: {  	s24 =	sadd.s32 $0x80, s24;
	v1 =	vld.idx.msk [tilespmem:v2+s5+$0x0], $0xffff  }
0x8c: {  	v2 =	vld.idx.msk [tilespmem:v4+s5+$0x0], $0xffff;
	[tilespmem:s24+$0x30] =	vst v6  }
0x8d: {  	s26 =	sadd.s32 $0x80, s26;
	v4 =	vld.idx.msk [tilespmem:v7+s5+$0x0], $0xffff;
	[tilespmem:s24+$0xFFFFFFD0] =	vst v8  }
.Ltmp10:
0x8e: {  	_ = 	snop;
	(pc) =	sbr.rel .LBB2_9-.Ltmp10, $1  }
0x8f: {  	_ =	sdelay $0x3  }
.LBB2_13:
0x90: {  	_ =	sfence.sel $0x180000  }
0x91: {  	[bflag:$0x0] =	sbarrier.arrive $0xFFFF  }
0x92: {  	p0 =	sne.s32 s4, $0x0;
	_ =	strace $0x90000047  }
0x93: {  	s0 =	sadd.s32 @!p0 $0x100000, s0;
	[bflag:$0x2] =	sbarrier.arrive $0xFFFF  }
0x94: {  	[sflag:s0] =	ssyncadd.tile.s32 @!p0 $0x1;
	_ =	shalt  }
.Lfunc_end2:
_tile_overlayer_lowered:
.L_overlay_start_2:
0x95: {  	(tag) =	ssettag $0x2  }
0x96: {  	s0 =	rddreg [dreg:$0x0];
	s2 =	stileid.u32  }
0x97: {  	s1 =	rddreg [dreg:$0x1];
	p0 =	sne.s32 s2, $0x0  }
0x98: {  	s3 =	rddreg [dreg:$0x2];
	[bflag:$0x3] =	sbarrier.arrive $0xFFFF;
	s2 =	simm.s32 @!p0 $0x1C04  }
0x99: {  	[timem:s3], [sflag:s2] =	dma.local @!p0 [hbm:s0], s1  }
0x9a: {  	s0 =	simm.s32 @!p0 $0x4  }
0x9b: {  	_ =	swait.ge @!p0 [sflag:s0], s1  }
0x9c: {  	s1 =	ssub.s32 @!p0 $0x0, s1;
	[sflag:s0] =	ssyncset.done @!p0 $0x0  }
0x9d: {  	[sflag:s0] =	ssyncadd.s32 @!p0 s1  }
0x9e: {  	[bflag:$0x3] =	sbarrier.arrive $0xFFFF  }
0x9f: {  	_ =	shalt  }

</sc_bundles>
